<compile_context>
chip_gen: v7x
topology: tpu7x:2x2x1
jax: 0.10.2.dev20260603
libtpu: 0.0.44.dev20260713+nightly
codegen_flags: <defaults>
</compile_context>

<pallas_src>
import jax
import jax.numpy as jnp
from jax import lax
from jax.experimental import pallas as pl
from jax.experimental.pallas import tpu as pltpu
from jax.experimental.pallas import tpu_sc as plsc

_B = 16384
_NW = 16
_PER_W = _B // _NW
_CHUNK = 2 * _PER_W
_BLK = 128
_T = 1000
_L = 16


def _tec_body(xf_hbm, th_hbm, out_hbm, x_v, th_v, out_v, sem_x, sem_t):
    wid = lax.axis_index("s")
    base = wid * _CHUNK
    cp_x = pltpu.async_copy(xf_hbm.at[pl.ds(base, _CHUNK)], x_v, sem_x)
    cp_t = pltpu.async_copy(th_hbm, th_v, sem_t)
    cp_x.wait()
    cp_t.wait()
    one = jnp.ones((_L,), jnp.int32)
    zero = jnp.zeros((_L,), jnp.int32)

    def block(blk, carry):
        o0 = 2 * _BLK * blk
        for k in range(_BLK // _L):
            o1 = o0 + _L * k
            o2 = o1 + _BLK
            x1 = x_v[pl.ds(o1, _L)]
            x2 = x_v[pl.ds(o2, _L)]
            ti = x2.astype(jnp.int32)
            th = plsc.load_gather(th_v, [ti])
            bi = jnp.where(x1 < th, one, zero)
            out_v[pl.ds(o1, _L)] = one - bi
            out_v[pl.ds(o2, _L)] = bi
        return carry

    lax.fori_loop(0, _CHUNK // (2 * _BLK), block, 0)
    pltpu.sync_copy(out_v, out_hbm.at[pl.ds(base, _CHUNK)])


def kernel(x, threshold):
    xf = x.reshape(_B // _BLK, _BLK, 2).transpose(0, 2, 1).reshape(2 * _B)
    mesh = plsc.VectorSubcoreMesh(
        core_axis_name="c", subcore_axis_name="s", num_cores=1
    )
    out = pl.kernel(
        _tec_body,
        out_type=jax.ShapeDtypeStruct((2 * _B,), jnp.int32),
        mesh=mesh,
        scratch_types=[
            pltpu.VMEM((_CHUNK,), jnp.float32),
            pltpu.VMEM((_T,), jnp.float32),
            pltpu.VMEM((_CHUNK,), jnp.int32),
            pltpu.SemaphoreType.DMA,
            pltpu.SemaphoreType.DMA,
        ],
        compiler_params=pltpu.CompilerParams(needs_layout_passes=False),
    )(xf, threshold)
    return out.reshape(_B // _BLK, 2, _BLK).transpose(0, 2, 1).reshape(_B, 2)

# --- scband reference (transcript-rebuilt; emitter-appended) ---
"""Pipeline reference for scband-attack-net-threshold-pc-75720273428610 (READ-ONLY COPY).

The authoritative reference and input builder live on the scoring server;
editing this copy changes nothing except your own understanding.
"""

import jax, jax.numpy as jnp
import numpy as np


def setup_inputs(seed: int = 0) -> dict:
    key = jax.random.key(seed)
    # x[:,0] is the value to compare, x[:,1] is an index into the threshold table.
    # Stored as float32 (as in the torch module), cast to int inside forward.
    x = jax.random.randint(key, (16384, 2), 0, 1000).astype(jnp.float32)
    # learned parameter: threshold table of length 1000, init 500.0 (matches init_kwargs)
    threshold = jnp.full((1000,), 500.0, dtype=jnp.float32)
    return {"x": x, "threshold": threshold}


def reference(x, threshold):
    x1 = x[:, 0].reshape(-1)
    x2 = x[:, 1].reshape(-1).astype(jnp.int32)
    # threshold.index_select(0, x2) -> gather
    th = jnp.take(threshold, x2, axis=0)
    out = (x1 < th).reshape(-1)
    # F.one_hot(bool->int64); num_classes fixed at 2 for static shapes
    out = jax.nn.one_hot(out.astype(jnp.int32), 2, dtype=jnp.int32)
    return out

if __name__ == "__main__":
    import jax
    _d = setup_inputs()
    print(jax.jit(kernel)(*tuple(_d.values())))

</pallas_src>

<mosaic_0001>
#map = affine_map<(d0, d1) -> (0)>
module attributes {stable_mosaic.version = 14 : i64} {
  func.func @_tec_body(%arg0: i32, %arg1: i32, %arg2: memref<32768xf32, #tpu.memory_space<hbm>>, %arg3: memref<1000xf32, #tpu.memory_space<hbm>>, %arg4: memref<32768xi32, #tpu.memory_space<hbm>>, %arg5: memref<2048xf32, #tpu.memory_space<vmem>>, %arg6: memref<1000xf32, #tpu.memory_space<vmem>>, %arg7: memref<2048xi32, #tpu.memory_space<vmem>>, %arg8: memref<!tpu.dma_semaphore, #tpu.memory_space<semaphore_mem>>, %arg9: memref<!tpu.dma_semaphore, #tpu.memory_space<semaphore_mem>>) attributes {dimension_semantics = [#tpu.dimension_semantics<core_parallel>, #tpu.dimension_semantics<subcore_parallel>], iteration_bounds = array<i64: 1, 16>, scalar_prefetch = 0 : i64, scratch_operands = 5 : i64, tpu.core_type = #tpu.core_type<sc_vector_subcore>, window_params = [{transform_indices = #map}, {transform_indices = #map}, {transform_indices = #map}]} {
    %mul3A = arith.constant 2048 : i32
    %mul3A_0 = arith.muli %arg1, %mul3A : i32
    %dma_start3A = tpu.memref_slice %arg2[%mul3A_0] : memref<32768xf32, #tpu.memory_space<hbm>> -> memref<2048xf32, #tpu.memory_space<hbm>>
    %dma_start3A_1 = tpu.memref_slice %arg2[%mul3A_0] : memref<32768xf32, #tpu.memory_space<hbm>> -> memref<2048xf32, #tpu.memory_space<hbm>>
    tpu.enqueue_dma source(%dma_start3A_1 : memref<2048xf32, #tpu.memory_space<hbm>>) target(%arg5 : memref<2048xf32, #tpu.memory_space<vmem>>) target_semaphore(%arg8 : memref<!tpu.dma_semaphore, #tpu.memory_space<semaphore_mem>>)
    tpu.enqueue_dma source(%arg3 : memref<1000xf32, #tpu.memory_space<hbm>>) target(%arg6 : memref<1000xf32, #tpu.memory_space<vmem>>) target_semaphore(%arg9 : memref<!tpu.dma_semaphore, #tpu.memory_space<semaphore_mem>>)
    %dma_wait3A = tpu.memref_slice %arg2[%mul3A_0] : memref<32768xf32, #tpu.memory_space<hbm>> -> memref<2048xf32, #tpu.memory_space<hbm>>
    %dma_wait3A_2 = tpu.memref_slice %arg2[%mul3A_0] : memref<32768xf32, #tpu.memory_space<hbm>> -> memref<2048xf32, #tpu.memory_space<hbm>>
    tpu.wait_dma2 semaphore(%arg8 : memref<!tpu.dma_semaphore, #tpu.memory_space<semaphore_mem>>) src(%dma_wait3A_2 : memref<2048xf32, #tpu.memory_space<hbm>>) dst(%arg5 : memref<2048xf32, #tpu.memory_space<vmem>>)
    tpu.wait_dma2 semaphore(%arg9 : memref<!tpu.dma_semaphore, #tpu.memory_space<semaphore_mem>>) src(%arg3 : memref<1000xf32, #tpu.memory_space<hbm>>) dst(%arg6 : memref<1000xf32, #tpu.memory_space<vmem>>)
    %broadcast_in_dim3A = arith.constant 1 : i32
    %broadcast_in_dim3A_3 = vector.broadcast %broadcast_in_dim3A : i32 to vector<16xi32>
    %broadcast_in_dim3A_4 = arith.constant 0 : i32
    %broadcast_in_dim3A_5 = vector.broadcast %broadcast_in_dim3A_4 : i32 to vector<16xi32>
    %scan3A = arith.constant 0 : i32
    %scan3A_6 = arith.constant 0 : i32
    %scan3A_7 = arith.constant 8 : i32
    %scan3A_8 = arith.addi %scan3A_6, %scan3A_7 : i32
    %scan3A_9 = arith.constant 1 : i32
    scf.for %scan3A_11 = %scan3A_6 to %scan3A_8 step %scan3A_9  : i32 {
      %mul3A_12 = arith.constant 256 : i32
      %mul3A_13 = arith.muli %mul3A_12, %scan3A_11 : i32
      %add3A = arith.constant 0 : i32
      %add3A_14 = arith.addi %mul3A_13, %add3A : i32
      %add3A_15 = arith.constant 128 : i32
      %add3A_16 = arith.addi %add3A_14, %add3A_15 : i32
      %get3A = arith.index_cast %add3A_14 : i32 to index
      %get3A_17 = tpu.vector_load %arg5[%get3A] {strides = array<i32>} : memref<2048xf32, #tpu.memory_space<vmem>>, vector<16xf32>,
      %get3A_18 = arith.index_cast %add3A_16 : i32 to index
      %get3A_19 = tpu.vector_load %arg5[%get3A_18] {strides = array<i32>} : memref<2048xf32, #tpu.memory_space<vmem>>, vector<16xf32>,
      %convert_element_type3A = arith.fptosi %get3A_19 : vector<16xf32> to vector<16xi32>
      %gather3A = tpu.vector_load_idx %arg6[%convert_element_type3A] : memref<1000xf32, #tpu.memory_space<vmem>>[vector<16xi32>], vector<16xf32>,
      %lt3A = arith.cmpf olt, %get3A_17, %gather3A : vector<16xf32>
      %select_n3A = arith.select %lt3A, %broadcast_in_dim3A_3, %broadcast_in_dim3A_5 : vector<16xi1>, vector<16xi32>
      %sub3A = arith.subi %broadcast_in_dim3A_3, %select_n3A : vector<16xi32>
      %swap3A = arith.index_cast %add3A_14 : i32 to index
      %swap3A_20 = tpu.vector_load %arg7[%swap3A] {strides = array<i32>} : memref<2048xi32, #tpu.memory_space<vmem>>, vector<16xi32>,
      tpu.vector_store %arg7[%swap3A], %sub3A {strides = array<i32>} : memref<2048xi32, #tpu.memory_space<vmem>>, vector<16xi32>,
      %swap3A_21 = arith.index_cast %add3A_16 : i32 to index
      %swap3A_22 = tpu.vector_load %arg7[%swap3A_21] {strides = array<i32>} : memref<2048xi32, #tpu.memory_space<vmem>>, vector<16xi32>,
      tpu.vector_store %arg7[%swap3A_21], %select_n3A {strides = array<i32>} : memref<2048xi32, #tpu.memory_space<vmem>>, vector<16xi32>,
      %add3A_23 = arith.constant 16 : i32
      %add3A_24 = arith.addi %mul3A_13, %add3A_23 : i32
      %add3A_25 = arith.constant 128 : i32
      %add3A_26 = arith.addi %add3A_24, %add3A_25 : i32
      %get3A_27 = arith.index_cast %add3A_24 : i32 to index
      %get3A_28 = tpu.vector_load %arg5[%get3A_27] {strides = array<i32>} : memref<2048xf32, #tpu.memory_space<vmem>>, vector<16xf32>,
      %get3A_29 = arith.index_cast %add3A_26 : i32 to index
      %get3A_30 = tpu.vector_load %arg5[%get3A_29] {strides = array<i32>} : memref<2048xf32, #tpu.memory_space<vmem>>, vector<16xf32>,
      %convert_element_type3A_31 = arith.fptosi %get3A_30 : vector<16xf32> to vector<16xi32>
      %gather3A_32 = tpu.vector_load_idx %arg6[%convert_element_type3A_31] : memref<1000xf32, #tpu.memory_space<vmem>>[vector<16xi32>], vector<16xf32>,
      %lt3A_33 = arith.cmpf olt, %get3A_28, %gather3A_32 : vector<16xf32>
      %select_n3A_34 = arith.select %lt3A_33, %broadcast_in_dim3A_3, %broadcast_in_dim3A_5 : vector<16xi1>, vector<16xi32>
      %sub3A_35 = arith.subi %broadcast_in_dim3A_3, %select_n3A_34 : vector<16xi32>
      %swap3A_36 = arith.index_cast %add3A_24 : i32 to index
      %swap3A_37 = tpu.vector_load %arg7[%swap3A_36] {strides = array<i32>} : memref<2048xi32, #tpu.memory_space<vmem>>, vector<16xi32>,
      tpu.vector_store %arg7[%swap3A_36], %sub3A_35 {strides = array<i32>} : memref<2048xi32, #tpu.memory_space<vmem>>, vector<16xi32>,
      %swap3A_38 = arith.index_cast %add3A_26 : i32 to index
      %swap3A_39 = tpu.vector_load %arg7[%swap3A_38] {strides = array<i32>} : memref<2048xi32, #tpu.memory_space<vmem>>, vector<16xi32>,
      tpu.vector_store %arg7[%swap3A_38], %select_n3A_34 {strides = array<i32>} : memref<2048xi32, #tpu.memory_space<vmem>>, vector<16xi32>,
      %add3A_40 = arith.constant 32 : i32
      %add3A_41 = arith.addi %mul3A_13, %add3A_40 : i32
      %add3A_42 = arith.constant 128 : i32
      %add3A_43 = arith.addi %add3A_41, %add3A_42 : i32
      %get3A_44 = arith.index_cast %add3A_41 : i32 to index
      %get3A_45 = tpu.vector_load %arg5[%get3A_44] {strides = array<i32>} : memref<2048xf32, #tpu.memory_space<vmem>>, vector<16xf32>,
      %get3A_46 = arith.index_cast %add3A_43 : i32 to index
      %get3A_47 = tpu.vector_load %arg5[%get3A_46] {strides = array<i32>} : memref<2048xf32, #tpu.memory_space<vmem>>, vector<16xf32>,
      %convert_element_type3A_48 = arith.fptosi %get3A_47 : vector<16xf32> to vector<16xi32>
      %gather3A_49 = tpu.vector_load_idx %arg6[%convert_element_type3A_48] : memref<1000xf32, #tpu.memory_space<vmem>>[vector<16xi32>], vector<16xf32>,
      %lt3A_50 = arith.cmpf olt, %get3A_45, %gather3A_49 : vector<16xf32>
      %select_n3A_51 = arith.select %lt3A_50, %broadcast_in_dim3A_3, %broadcast_in_dim3A_5 : vector<16xi1>, vector<16xi32>
      %sub3A_52 = arith.subi %broadcast_in_dim3A_3, %select_n3A_51 : vector<16xi32>
      %swap3A_53 = arith.index_cast %add3A_41 : i32 to index
      %swap3A_54 = tpu.vector_load %arg7[%swap3A_53] {strides = array<i32>} : memref<2048xi32, #tpu.memory_space<vmem>>, vector<16xi32>,
      tpu.vector_store %arg7[%swap3A_53], %sub3A_52 {strides = array<i32>} : memref<2048xi32, #tpu.memory_space<vmem>>, vector<16xi32>,
      %swap3A_55 = arith.index_cast %add3A_43 : i32 to index
      %swap3A_56 = tpu.vector_load %arg7[%swap3A_55] {strides = array<i32>} : memref<2048xi32, #tpu.memory_space<vmem>>, vector<16xi32>,
      tpu.vector_store %arg7[%swap3A_55], %select_n3A_51 {strides = array<i32>} : memref<2048xi32, #tpu.memory_space<vmem>>, vector<16xi32>,
      %add3A_57 = arith.constant 48 : i32
      %add3A_58 = arith.addi %mul3A_13, %add3A_57 : i32
      %add3A_59 = arith.constant 128 : i32
      %add3A_60 = arith.addi %add3A_58, %add3A_59 : i32
      %get3A_61 = arith.index_cast %add3A_58 : i32 to index
      %get3A_62 = tpu.vector_load %arg5[%get3A_61] {strides = array<i32>} : memref<2048xf32, #tpu.memory_space<vmem>>, vector<16xf32>,
      %get3A_63 = arith.index_cast %add3A_60 : i32 to index
      %get3A_64 = tpu.vector_load %arg5[%get3A_63] {strides = array<i32>} : memref<2048xf32, #tpu.memory_space<vmem>>, vector<16xf32>,
      %convert_element_type3A_65 = arith.fptosi %get3A_64 : vector<16xf32> to vector<16xi32>
      %gather3A_66 = tpu.vector_load_idx %arg6[%convert_element_type3A_65] : memref<1000xf32, #tpu.memory_space<vmem>>[vector<16xi32>], vector<16xf32>,
      %lt3A_67 = arith.cmpf olt, %get3A_62, %gather3A_66 : vector<16xf32>
      %select_n3A_68 = arith.select %lt3A_67, %broadcast_in_dim3A_3, %broadcast_in_dim3A_5 : vector<16xi1>, vector<16xi32>
      %sub3A_69 = arith.subi %broadcast_in_dim3A_3, %select_n3A_68 : vector<16xi32>
      %swap3A_70 = arith.index_cast %add3A_58 : i32 to index
      %swap3A_71 = tpu.vector_load %arg7[%swap3A_70] {strides = array<i32>} : memref<2048xi32, #tpu.memory_space<vmem>>, vector<16xi32>,
      tpu.vector_store %arg7[%swap3A_70], %sub3A_69 {strides = array<i32>} : memref<2048xi32, #tpu.memory_space<vmem>>, vector<16xi32>,
      %swap3A_72 = arith.index_cast %add3A_60 : i32 to index
      %swap3A_73 = tpu.vector_load %arg7[%swap3A_72] {strides = array<i32>} : memref<2048xi32, #tpu.memory_space<vmem>>, vector<16xi32>,
      tpu.vector_store %arg7[%swap3A_72], %select_n3A_68 {strides = array<i32>} : memref<2048xi32, #tpu.memory_space<vmem>>, vector<16xi32>,
      %add3A_74 = arith.constant 64 : i32
      %add3A_75 = arith.addi %mul3A_13, %add3A_74 : i32
      %add3A_76 = arith.constant 128 : i32
      %add3A_77 = arith.addi %add3A_75, %add3A_76 : i32
      %get3A_78 = arith.index_cast %add3A_75 : i32 to index
      %get3A_79 = tpu.vector_load %arg5[%get3A_78] {strides = array<i32>} : memref<2048xf32, #tpu.memory_space<vmem>>, vector<16xf32>,
      %get3A_80 = arith.index_cast %add3A_77 : i32 to index
      %get3A_81 = tpu.vector_load %arg5[%get3A_80] {strides = array<i32>} : memref<2048xf32, #tpu.memory_space<vmem>>, vector<16xf32>,
      %convert_element_type3A_82 = arith.fptosi %get3A_81 : vector<16xf32> to vector<16xi32>
      %gather3A_83 = tpu.vector_load_idx %arg6[%convert_element_type3A_82] : memref<1000xf32, #tpu.memory_space<vmem>>[vector<16xi32>], vector<16xf32>,
      %lt3A_84 = arith.cmpf olt, %get3A_79, %gather3A_83 : vector<16xf32>
      %select_n3A_85 = arith.select %lt3A_84, %broadcast_in_dim3A_3, %broadcast_in_dim3A_5 : vector<16xi1>, vector<16xi32>
      %sub3A_86 = arith.subi %broadcast_in_dim3A_3, %select_n3A_85 : vector<16xi32>
      %swap3A_87 = arith.index_cast %add3A_75 : i32 to index
      %swap3A_88 = tpu.vector_load %arg7[%swap3A_87] {strides = array<i32>} : memref<2048xi32, #tpu.memory_space<vmem>>, vector<16xi32>,
      tpu.vector_store %arg7[%swap3A_87], %sub3A_86 {strides = array<i32>} : memref<2048xi32, #tpu.memory_space<vmem>>, vector<16xi32>,
      %swap3A_89 = arith.index_cast %add3A_77 : i32 to index
      %swap3A_90 = tpu.vector_load %arg7[%swap3A_89] {strides = array<i32>} : memref<2048xi32, #tpu.memory_space<vmem>>, vector<16xi32>,
      tpu.vector_store %arg7[%swap3A_89], %select_n3A_85 {strides = array<i32>} : memref<2048xi32, #tpu.memory_space<vmem>>, vector<16xi32>,
      %add3A_91 = arith.constant 80 : i32
      %add3A_92 = arith.addi %mul3A_13, %add3A_91 : i32
      %add3A_93 = arith.constant 128 : i32
      %add3A_94 = arith.addi %add3A_92, %add3A_93 : i32
      %get3A_95 = arith.index_cast %add3A_92 : i32 to index
      %get3A_96 = tpu.vector_load %arg5[%get3A_95] {strides = array<i32>} : memref<2048xf32, #tpu.memory_space<vmem>>, vector<16xf32>,
      %get3A_97 = arith.index_cast %add3A_94 : i32 to index
      %get3A_98 = tpu.vector_load %arg5[%get3A_97] {strides = array<i32>} : memref<2048xf32, #tpu.memory_space<vmem>>, vector<16xf32>,
      %convert_element_type3A_99 = arith.fptosi %get3A_98 : vector<16xf32> to vector<16xi32>
      %gather3A_100 = tpu.vector_load_idx %arg6[%convert_element_type3A_99] : memref<1000xf32, #tpu.memory_space<vmem>>[vector<16xi32>], vector<16xf32>,
      %lt3A_101 = arith.cmpf olt, %get3A_96, %gather3A_100 : vector<16xf32>
      %select_n3A_102 = arith.select %lt3A_101, %broadcast_in_dim3A_3, %broadcast_in_dim3A_5 : vector<16xi1>, vector<16xi32>
      %sub3A_103 = arith.subi %broadcast_in_dim3A_3, %select_n3A_102 : vector<16xi32>
      %swap3A_104 = arith.index_cast %add3A_92 : i32 to index
      %swap3A_105 = tpu.vector_load %arg7[%swap3A_104] {strides = array<i32>} : memref<2048xi32, #tpu.memory_space<vmem>>, vector<16xi32>,
      tpu.vector_store %arg7[%swap3A_104], %sub3A_103 {strides = array<i32>} : memref<2048xi32, #tpu.memory_space<vmem>>, vector<16xi32>,
      %swap3A_106 = arith.index_cast %add3A_94 : i32 to index
      %swap3A_107 = tpu.vector_load %arg7[%swap3A_106] {strides = array<i32>} : memref<2048xi32, #tpu.memory_space<vmem>>, vector<16xi32>,
      tpu.vector_store %arg7[%swap3A_106], %select_n3A_102 {strides = array<i32>} : memref<2048xi32, #tpu.memory_space<vmem>>, vector<16xi32>,
      %add3A_108 = arith.constant 96 : i32
      %add3A_109 = arith.addi %mul3A_13, %add3A_108 : i32
      %add3A_110 = arith.constant 128 : i32
      %add3A_111 = arith.addi %add3A_109, %add3A_110 : i32
      %get3A_112 = arith.index_cast %add3A_109 : i32 to index
      %get3A_113 = tpu.vector_load %arg5[%get3A_112] {strides = array<i32>} : memref<2048xf32, #tpu.memory_space<vmem>>, vector<16xf32>,
      %get3A_114 = arith.index_cast %add3A_111 : i32 to index
      %get3A_115 = tpu.vector_load %arg5[%get3A_114] {strides = array<i32>} : memref<2048xf32, #tpu.memory_space<vmem>>, vector<16xf32>,
      %convert_element_type3A_116 = arith.fptosi %get3A_115 : vector<16xf32> to vector<16xi32>
      %gather3A_117 = tpu.vector_load_idx %arg6[%convert_element_type3A_116] : memref<1000xf32, #tpu.memory_space<vmem>>[vector<16xi32>], vector<16xf32>,
      %lt3A_118 = arith.cmpf olt, %get3A_113, %gather3A_117 : vector<16xf32>
      %select_n3A_119 = arith.select %lt3A_118, %broadcast_in_dim3A_3, %broadcast_in_dim3A_5 : vector<16xi1>, vector<16xi32>
      %sub3A_120 = arith.subi %broadcast_in_dim3A_3, %select_n3A_119 : vector<16xi32>
      %swap3A_121 = arith.index_cast %add3A_109 : i32 to index
      %swap3A_122 = tpu.vector_load %arg7[%swap3A_121] {strides = array<i32>} : memref<2048xi32, #tpu.memory_space<vmem>>, vector<16xi32>,
      tpu.vector_store %arg7[%swap3A_121], %sub3A_120 {strides = array<i32>} : memref<2048xi32, #tpu.memory_space<vmem>>, vector<16xi32>,
      %swap3A_123 = arith.index_cast %add3A_111 : i32 to index
      %swap3A_124 = tpu.vector_load %arg7[%swap3A_123] {strides = array<i32>} : memref<2048xi32, #tpu.memory_space<vmem>>, vector<16xi32>,
      tpu.vector_store %arg7[%swap3A_123], %select_n3A_119 {strides = array<i32>} : memref<2048xi32, #tpu.memory_space<vmem>>, vector<16xi32>,
      %add3A_125 = arith.constant 112 : i32
      %add3A_126 = arith.addi %mul3A_13, %add3A_125 : i32
      %add3A_127 = arith.constant 128 : i32
      %add3A_128 = arith.addi %add3A_126, %add3A_127 : i32
      %get3A_129 = arith.index_cast %add3A_126 : i32 to index
      %get3A_130 = tpu.vector_load %arg5[%get3A_129] {strides = array<i32>} : memref<2048xf32, #tpu.memory_space<vmem>>, vector<16xf32>,
      %get3A_131 = arith.index_cast %add3A_128 : i32 to index
      %get3A_132 = tpu.vector_load %arg5[%get3A_131] {strides = array<i32>} : memref<2048xf32, #tpu.memory_space<vmem>>, vector<16xf32>,
      %convert_element_type3A_133 = arith.fptosi %get3A_132 : vector<16xf32> to vector<16xi32>
      %gather3A_134 = tpu.vector_load_idx %arg6[%convert_element_type3A_133] : memref<1000xf32, #tpu.memory_space<vmem>>[vector<16xi32>], vector<16xf32>,
      %lt3A_135 = arith.cmpf olt, %get3A_130, %gather3A_134 : vector<16xf32>
      %select_n3A_136 = arith.select %lt3A_135, %broadcast_in_dim3A_3, %broadcast_in_dim3A_5 : vector<16xi1>, vector<16xi32>
      %sub3A_137 = arith.subi %broadcast_in_dim3A_3, %select_n3A_136 : vector<16xi32>
      %swap3A_138 = arith.index_cast %add3A_126 : i32 to index
      %swap3A_139 = tpu.vector_load %arg7[%swap3A_138] {strides = array<i32>} : memref<2048xi32, #tpu.memory_space<vmem>>, vector<16xi32>,
      tpu.vector_store %arg7[%swap3A_138], %sub3A_137 {strides = array<i32>} : memref<2048xi32, #tpu.memory_space<vmem>>, vector<16xi32>,
      %swap3A_140 = arith.index_cast %add3A_128 : i32 to index
      %swap3A_141 = tpu.vector_load %arg7[%swap3A_140] {strides = array<i32>} : memref<2048xi32, #tpu.memory_space<vmem>>, vector<16xi32>,
      tpu.vector_store %arg7[%swap3A_140], %select_n3A_136 {strides = array<i32>} : memref<2048xi32, #tpu.memory_space<vmem>>, vector<16xi32>,
    }
    %scan3A_10 = arith.constant 8 : i32
    "tpu.region"() ({
      %run_scoped3A = tpu.sem_alloc : memref<!tpu.dma_semaphore, #tpu.memory_space<semaphore_mem>>
      %dma_start3A_11 = tpu.memref_slice %arg4[%mul3A_0] : memref<32768xi32, #tpu.memory_space<hbm>> -> memref<2048xi32, #tpu.memory_space<hbm>>
      %dma_start3A_12 = tpu.memref_slice %arg4[%mul3A_0] : memref<32768xi32, #tpu.memory_space<hbm>> -> memref<2048xi32, #tpu.memory_space<hbm>>
      tpu.enqueue_dma source(%arg7 : memref<2048xi32, #tpu.memory_space<vmem>>) target(%dma_start3A_12 : memref<2048xi32, #tpu.memory_space<hbm>>) target_semaphore(%run_scoped3A : memref<!tpu.dma_semaphore, #tpu.memory_space<semaphore_mem>>)
      %dma_wait3A_13 = tpu.memref_slice %arg4[%mul3A_0] : memref<32768xi32, #tpu.memory_space<hbm>> -> memref<2048xi32, #tpu.memory_space<hbm>>
      %dma_wait3A_14 = tpu.memref_slice %arg4[%mul3A_0] : memref<32768xi32, #tpu.memory_space<hbm>> -> memref<2048xi32, #tpu.memory_space<hbm>>
      tpu.wait_dma2 semaphore(%run_scoped3A : memref<!tpu.dma_semaphore, #tpu.memory_space<semaphore_mem>>) src(%arg7 : memref<2048xi32, #tpu.memory_space<vmem>>) dst(%dma_wait3A_14 : memref<2048xi32, #tpu.memory_space<hbm>>)
      tpu.yield
    }) : () -> ()
    return
  }
}

</mosaic_0001>

<sc_bundles>
// kernel: kernel.3.cloned.1.call-start
scs
__scs_entry_jumppad:
0x0: {  	(pc) =	sbr.rel $0x88, $3  }
0x1: {  	(tag) =	ssettag $0x0;
	lr =	simm.s32 $0x1  }
0x2: {  	[smem:$0x3F9F] =	sst lr;
	_ =	strace $0xD0000000  }
0x3: {  	_ = 	snop  }
0x4: {  	_ = 	snop  }
0x5: {  	_ = 	snop  }
0x6: {  	_ = 	snop  }
0x7: {  	_ = 	snop  }
__scs_overlays_trampoline_lowered:
0x8: {  	[smem:$0x3FAE] =	sst s0  }
0x9: {  	[smem:$0x3FAF] =	sst s1  }
0xa: {  	[smem:$0x3FB0] =	sst s2  }
0xb: {  	[smem:$0x3FB1] =	sst s3  }
0xc: {  	[smem:$0x3FB2] =	sst s4  }
0xd: {  	[smem:$0x3FB3] =	sst s5  }
0xe: {  	[smem:$0x3FB4] =	sst s6  }
0xf: {  	[smem:$0x3FB5] =	sst s7  }
0x10: {  	[smem:$0x3FB6] =	sst s8  }
0x11: {  	[smem:$0x3FB7] =	sst s9;
	s0 =	simm.s32 @!p0 $0x0  }
0x12: {  	s1 =	sld [smem:$0x3F9D];
	s0 =	simm.s32 @p0 $0x1  }
0x13: {  	[smem:$0x3FB8] =	sst s0;
	s0 =	simm.s32 @!p1 $0x0  }
0x14: {  	s2 =	sld [smem:$0x3F9C];
	s0 =	simm.s32 @p1 $0x1  }
0x15: {  	[smem:$0x3FB9] =	sst s0;
	s0 =	simm.s32 @!p2 $0x0  }
0x16: {  	s3 =	sld [smem:$0x3FDB];
	s0 =	simm.s32 @p2 $0x1  }
0x17: {  	s4 =	simm.s32 $0x1BF5;
	[smem:$0x3FBB] =	sst s0  }
0x18: {  	s0 =	sld [smem:$0x3F9E];
	_ =	swait.ge [sflag:s4], $0x0  }
0x19: {  	s7 =	sld [smem:$0x3F9F]  }
0x1a: {  	s8 =	sadd.s32 $0xFFFFE003, lr  }
0x1b: {  	s9 =	sadd.s32 $0xFFFFFEF7, lr;
	s5 =	simm.s32 $0xFFFFFFFF;
	p2 =	slt.u32 s8, $0xFFFFF086  }
0x1c: {  	p1 =	slt.u32 s9, $0xF7A;
	s5 =	simm.s32 @!p2 $0x0  }
0x1d: {  	s5 =	simm.s32 @p1 $0x1;
	p0 =	seq.s32 s7, s2  }
0x1e: {  	s7 =	smul.u32 @!p0 $0xF7A, s2;
	p2 =	seq.s32 @!p0 s5, $0x0  }
0x1f: {  	s9 =	smul.u32 $0xF7A, s1;
	s8 =	simm.s32 @!p0 $0x1BF5;
	p2 =	por !p2, p0  }
0x20: {  	[sflag:s8] =	ssyncset.s32 @!p0 $0xFFFFF086;
	s6 =	sadd.s32 @!p0 s3, s7;
	s7 =	simm.s32 @!p0 $0x108  }
0x21: {  	s3 =	sadd.s32 s3, s9;
	s6 =	sadd.s32 @!p0 $0x88, s6;
	s7 =	simm.s32 @p2 $0x1082  }
0x22: {  	[simem:s7], [sflag:s8] =	dma.local @!p0 [hbm:s6], $0xF7A  }
0x23: {  	s9 =	sor.u32 $0xD0000000, s2;
	s6 =	simm.s32 $0x108;
	_ =	swait.ge @!p0 [sflag:s8], $0x0  }
0x24: {  	s3 =	sadd.s32 $0x88, s3;
	s6 =	simm.s32 @!p1 $0x1082;
	[sflag:s4] =	ssyncset.s32 $0xFFFFF086  }
0x25: {  	[simem:s6], [sflag:s4] =	dma.local [hbm:s3], $0xF7A  }
0x26: {  	[smem:$0x3F9F] =	sst s1;
	(tag) =	ssettag s2;
	_ =	strace s9  }
0x27: {  	s1 =	sld [smem:$0x3FAF]  }
0x28: {  	s2 =	sld [smem:$0x3FB0]  }
0x29: {  	s4 =	sld [smem:$0x3FB2]  }
0x2a: {  	p0 =	seq.s32 s5, $0x0;
	s5 =	sld [smem:$0x3FB3]  }
0x2b: {  	s6 =	sld [smem:$0x3FB4]  }
0x2c: {  	s7 =	sld [smem:$0x3FB5]  }
0x2d: {  	s3 =	simm.s32 $0x108;
	s8 =	sld [smem:$0x3FB6]  }
0x2e: {  	s3 =	simm.s32 @!p0 $0x1082;
	s9 =	sld [smem:$0x3FB7]  }
0x2f: {  	lr =	sadd.s32 s0, s3;
	s0 =	sld [smem:$0x3FAE]  }
0x30: {  	s3 =	sld [smem:$0x3FB1]  }
0x31: {  	[smem:$0x3FBA] =	sst s10  }
0x32: {  	s10 =	sld [smem:$0x3FB8];
	_ =	sdelay $0x3  }
0x33: {  	p0 =	seq.s32 s10, $0x1;
	s10 =	sld [smem:$0x3FBA];
	_ =	sdelay $0x3  }
0x34: {  	[smem:$0x3FBA] =	sst s10  }
0x35: {  	s10 =	sld [smem:$0x3FB9];
	_ =	sdelay $0x3  }
0x36: {  	p1 =	seq.s32 s10, $0x1;
	s10 =	sld [smem:$0x3FBA];
	_ =	sdelay $0x3  }
0x37: {  	[smem:$0x3FBA] =	sst s10  }
0x38: {  	s10 =	sld [smem:$0x3FBB]  }
0x39: {  	_ = 	snop;
	(pc) =	sbr.ind lr, $3  }
0x3a: {  	_ = 	snop  }
0x3b: {  	_ = 	snop  }
0x3c: {  	p2 =	seq.s32 s10, $0x1;
	s10 =	sld [smem:$0x3FBA]  }
0x3d: {  	_ =	shalt  }
0x3e: {  	_ =	shalt  }
0x3f: {  	_ =	shalt  }
0x40: {  	_ =	shalt  }
0x41: {  	_ =	shalt  }
0x42: {  	_ =	shalt  }
0x43: {  	_ =	shalt  }
0x44: {  	_ =	shalt  }
0x45: {  	_ =	shalt  }
0x46: {  	_ =	shalt  }
0x47: {  	_ =	shalt  }
0x48: {  	_ =	shalt  }
0x49: {  	_ =	shalt  }
0x4a: {  	_ =	shalt  }
0x4b: {  	_ =	shalt  }
0x4c: {  	_ =	shalt  }
0x4d: {  	_ =	shalt  }
0x4e: {  	_ =	shalt  }
0x4f: {  	_ =	shalt  }
0x50: {  	_ =	shalt  }
0x51: {  	_ =	shalt  }
0x52: {  	_ =	shalt  }
0x53: {  	_ =	shalt  }
0x54: {  	_ =	shalt  }
0x55: {  	_ =	shalt  }
0x56: {  	_ =	shalt  }
0x57: {  	_ =	shalt  }
0x58: {  	_ =	shalt  }
0x59: {  	_ =	shalt  }
0x5a: {  	_ =	shalt  }
0x5b: {  	_ =	shalt  }
0x5c: {  	_ =	shalt  }
0x5d: {  	_ =	shalt  }
0x5e: {  	_ =	shalt  }
0x5f: {  	_ =	shalt  }
0x60: {  	_ =	shalt  }
0x61: {  	_ =	shalt  }
0x62: {  	_ =	shalt  }
0x63: {  	_ =	shalt  }
0x64: {  	_ =	shalt  }
0x65: {  	_ =	shalt  }
0x66: {  	_ =	shalt  }
0x67: {  	_ =	shalt  }
0x68: {  	_ =	shalt  }
0x69: {  	_ =	shalt  }
0x6a: {  	_ =	shalt  }
0x6b: {  	_ =	shalt  }
0x6c: {  	_ =	shalt  }
0x6d: {  	_ =	shalt  }
0x6e: {  	_ =	shalt  }
0x6f: {  	_ =	shalt  }
0x70: {  	_ =	shalt  }
0x71: {  	_ =	shalt  }
0x72: {  	_ =	shalt  }
0x73: {  	_ =	shalt  }
0x74: {  	_ =	shalt  }
0x75: {  	_ =	shalt  }
0x76: {  	_ =	shalt  }
0x77: {  	_ =	shalt  }
0x78: {  	_ =	shalt  }
0x79: {  	_ =	shalt  }
0x7a: {  	_ =	shalt  }
0x7b: {  	_ =	shalt  }
0x7c: {  	_ =	shalt  }
0x7d: {  	_ =	shalt  }
0x7e: {  	_ =	shalt  }
0x7f: {  	_ =	shalt  }
0x80: {  	_ =	shalt  }
0x81: {  	_ =	shalt  }
0x82: {  	_ =	shalt  }
0x83: {  	_ =	shalt  }
0x84: {  	_ =	shalt  }
0x85: {  	_ =	shalt  }
0x86: {  	_ =	shalt  }
0x87: {  	_ =	shalt  }
.Lfunc_end0:
.L_simem_size_0:
called_computation_lowered:
.L_overlay_start_0:
0x88: {  	s0 =	sld [smem:$0x3FD9]  }
0x89: {  	s1 =	sld [smem:$0x3FFE];
	_ =	sdelay $0x3  }
0x8a: {  	s0 =	sadd.s32 s1, s0  }
0x8b: {  	[smem:$0x3FC6] =	sst s0  }
0x8c: {  	_ = 	snop  }
0x8d: {  	s0 =	sld [smem:$0x3FC9]  }
0x8e: {  	s17 =	sld [smem:$0x3FC8]  }
0x8f: {  	s2 =	sld [smem:$0x3FD0];
	(tm) =	ssettm $0x1  }
0x90: {  	s3 =	sld [smem:$0x3FFB];
	_ =	sdelay $0x3  }
0x91: {  	_ =	strace s3  }
0x92: {  	s3 =	sld [smem:$0x3FFC];
	_ =	sdelay $0x3  }
0x93: {  	_ =	strace s3  }
0x94: {  	s3 =	sld [smem:$0x3FFD];
	_ =	sdelay $0x3  }
0x95: {  	_ =	strace s3  }
0x96: {  	_ =	strace $0x8FFFFFFF  }
0x97: {  	s18 =	sld [smem:$0x3FDB];
	_ =	sdelay $0x1  }
0x98: {  	s4 =	simm.s32 $_scs_section_size  }
0x99: {  	s5 =	simm.s32 $_size__tile_overlayer_lowered;
	s6 =	simm.s32 $_tile_overlayer_lowered  }
0x9a: {  	s21 =	simm.s32 $0x1BFF;
	s20 =	sshll.u32 s6, $0x1;
	s3 =	sadd.s32 s4, s18  }
0x9b: {  	s7 =	simm.s32 $0x0;
	s19 =	sshll.u32 s5, $0x1;
	s5 =	sadd.s32 s20, s3  }
0x9c: {  	[timem:s7], [sflag:s21] =	dma.local [hbm:s5], s19  }
0x9d: {  	_ =	swait.ge [sflag:s21], s19  }
0x9e: {  	s4 =	ssub.s32 $0x0, s19;
	[sflag:s21] =	ssyncset.done $0x0  }
0x9f: {  	[sflag:s21] =	ssyncadd.s32 s4;
	_ =	sdelay $0x1  }
0xa0: {  	s22 =	simm.s32 $0x1B8B  }
0xa1: {  	_ =	swait.ge [sflag:s22], $0x1  }
0xa2: {  	[sflag:s22] =	ssyncset.done $0x0  }
0xa3: {  	s23 =	simm.s32 $0x1B8E;
	[sflag:s22] =	ssyncadd.s32 $0xFFFFFFFF  }
0xa4: {  	s24 =	simm.s32 $execute0_lowered;
	[smem:$0x3FD2] =	sst s23  }
0xa5: {  	s4 =	sshll.u32 s24, $0x1;
	_ =	strace $0x80000046;
	[dreg:$0x1] =	wrdreg $0xFFFFFFFF  }
0xa6: {  	s25 =	simm.s32 $_size_execute0_lowered;
	s3 =	sadd.s32 s3, s4;
	[dreg:$0x0] =	wrdreg $0x0  }
0xa7: {  	s4 =	sshll.u32 s25, $0x1;
	[dreg:$0x2] =	wrdreg s3  }
0xa8: {  	[dreg:$0x3] =	wrdreg s4  }
0xa9: {  	[dreg:$0x4] =	wrdreg $0xC0  }
0xaa: {  	_ =	task [dreg:s7], $0x5FFFF  }
0xab: {  	[dreg:$0x1] =	wrdreg $0xFFFFFFFF  }
0xac: {  	[dreg:$0x0] =	wrdreg $0x60  }
0xad: {  	[dreg:$0x2] =	wrdreg s0  }
0xae: {  	[dreg:$0x3] =	wrdreg s17  }
0xaf: {  	[dreg:$0x4] =	wrdreg s2  }
0xb0: {  	[dreg:$0x5] =	wrdreg $0x9  }
0xb1: {  	_ =	task.clear_ibuf [dreg:s7], $0x6FFFF;
	_ =	strace $0x90000046  }
0xb2: {  	s26 =	simm.s32 $0x9;
	_ =	strace $0x80000048  }
0xb3: {  	_ =	swait.ge [sflag:s26], $0x1  }
0xb4: {  	[sflag:s26] =	ssyncadd.s32 $0xFFFFFFFF  }
0xb5: {  	_ =	strace $0x90000048  }
0xb6: {  	_ =	sfence  }
0xb7: {  	s28 =	sld [smem:$0x0];
	_ =	sdelay $0x1  }
0xb8: {  	s29 =	srdreg.scid  }
0xb9: {  	s30 =	sshll.u32 s29, $0xD;
	s31 =	sshrl.u32 s29, $0x2  }
0xba: {  	s1 =	sand.u32 $0x1, s29;
	s2 =	sand.u32 $0x4000, s30;
	s0 =	sadd.s32 s31, s28  }
0xbb: {  	s1 =	sor.u32 s2, s1;
	s0 =	sshll.u32 s0, $0x11  }
0xbc: {  	s0 =	sor.u32 s0, s1  }
0xbd: {  	s0 =	sadd.s32 $0x8F2B, s0  }
0xbe: {  	[sflag:s0] =	ssyncadd.remote.s32 $0x1  }
0xbf: {  	_ =	sfence.sel $0xFFFF  }
0xc0: {  	[dreg:$0x0] =	wrdreg $0xFFFFFFFF;
	(pc) =	sbr.abs _section_cstart, $3  }
0xc1: {  	[dreg:$0x1] =	wrdreg $0xFFFFFFFF  }
0xc2: {  	_ =	task.clear_ibuf [dreg:s7], $0x2FFFF;
	_ =	strace $0x9FFFFFFF  }
0xc3: {  	(tm) =	ssettm $0x7FFFFFFF  }
tec
execute0_lowered:
.L_overlay_start_1:
0x0: {  	(tag) =	ssettag $0x1  }
0x1: {  	s4 =	rddreg [dreg:$0x0]  }
0x2: {  	s5 =	rddreg [dreg:$0x1]  }
0x3: {  	s2 =	rddreg [dreg:$0x2];
	s6 =	simm.s32 $0x0;
	s1 =	stileid.u32  }
0x4: {  	[smem:$0x7FF] =	sst s6;
	s3 =	sshll.u32 s1, $0x8  }
0x5: {  	s0 =	rddreg [dreg:$0x3];
	_ =	strace $0x80000047;
	s4 =	sadd.s32 s4, s3  }
0x6: {  	[tilespmem:s6], [sflag:$0x1] =	stream.linear.gather [hbm4b:s4+s6], $0x800, $0x38;
	[tilespmem:$0x1400] =	vst v63  }
0x7: {  	s30 =	simm.s32 $0x1;
	s4 =	simm.s32 $0x800  }
0x8: {  	[tilespmem:s4], [sflag:$0x2] =	stream.linear.gather [hbm4b:s5+s6], $0x400, $0x38;
	[tilespmem:$0x1400] =	vst v63  }
0x9: {  	_ =	swait.ge [sflag:s30], $0x800  }
0xa: {  	[sflag:s30] =	ssyncset.done $0x0  }
0xb: {  	s31 =	simm.s32 $0x2;
	[sflag:s30] =	ssyncadd.s32 $0xFFFFF800  }
0xc: {  	_ =	swait.ge [sflag:s31], $0x400  }
0xd: {  	[sflag:s31] =	ssyncset.done $0x0  }
0xe: {  	s5 =	simm.s32 $0x0;
	[sflag:s31] =	ssyncadd.s32 $0xFFFFFC00  }
0xf: {  	v0 =	vld [tilespmem:s5+$0x80];
	_ =	sdelay $0x4  }
0x10: {  	v0 =	vtrunc.f32 v0  }
0x11: {  	v0 =	vcvt.f32.s32 v0;
	_ =	sdelay $0x2  }
0x12: {  	v1 =	vld [tilespmem:s5+$0x90];
	_ =	sdelay $0x1  }
0x13: {  	v3 =	vld [tilespmem:s5+$0x0]  }
0x14: {  	v2 =	vld.idx.msk [tilespmem:v0+s4+$0x0], $0xffff;
	_ =	sdelay $0x1  }
0x15: {  	v0 =	vtrunc.f32 v1  }
0x16: {  	v6 =	vcvt.f32.s32 v0;
	_ =	sdelay $0x1  }
0x17: {  	v0 =	vimm.s32 $0x0;
	vm0 =	vlt.f32 v3, v2  }
0x18: {  	vm1 =	vmneg vm0;
	v3 =	vsel vm0, $0x1, v0  }
0x19: {  	v4 =	vld [tilespmem:s5+$0xA0];
	v9 =	vsel vm1, $0x1, v0;
	[tilespmem:s5+$0xC80] =	vst v3  }
0x1a: {  	[tilespmem:s5+$0xC00] =	vst v9  }
0x1b: {  	v3 =	vld.idx.msk [tilespmem:v6+s4+$0x0], $0xffff  }
0x1c: {  	v6 =	vld [tilespmem:s5+$0x10];
	_ =	sdelay $0x1  }
0x1d: {  	v4 =	vtrunc.f32 v4  }
0x1e: {  	v4 =	vcvt.f32.s32 v4;
	_ =	sdelay $0x1  }
0x1f: {  	vm15 =	vlt.f32 v6, v3  }
0x20: {  	vm4 =	vmneg vm15;
	v3 =	vsel vm15, $0x1, v0  }
0x21: {  	v5 =	vld [tilespmem:s5+$0xB0];
	v6 =	vsel vm4, $0x1, v0;
	[tilespmem:s5+$0xC90] =	vst v3  }
0x22: {  	[tilespmem:s5+$0xC10] =	vst v6  }
0x23: {  	v3 =	vld.idx.msk [tilespmem:v4+s4+$0x0], $0xffff  }
0x24: {  	v4 =	vld [tilespmem:s5+$0x20];
	_ =	sdelay $0x1  }
0x25: {  	v5 =	vtrunc.f32 v5  }
0x26: {  	v5 =	vcvt.f32.s32 v5;
	_ =	sdelay $0x1  }
0x27: {  	vm5 =	vlt.f32 v4, v3  }
0x28: {  	v1 =	vld [tilespmem:s5+$0xC0];
	vm6 =	vmneg vm5;
	v3 =	vsel vm5, $0x1, v0  }
0x29: {  	v4 =	vsel vm6, $0x1, v0;
	[tilespmem:s5+$0xCA0] =	vst v3  }
0x2a: {  	[tilespmem:s5+$0xC20] =	vst v4;
	v4 =	vld [tilespmem:s5+$0x30]  }
0x2b: {  	v3 =	vld.idx.msk [tilespmem:v5+s4+$0x0], $0xffff;
	_ =	sdelay $0x1  }
0x2c: {  	v1 =	vtrunc.f32 v1  }
0x2d: {  	v1 =	vcvt.f32.s32 v1;
	_ =	sdelay $0x1  }
0x2e: {  	vm7 =	vlt.f32 v4, v3  }
0x2f: {  	v7 =	vld [tilespmem:s5+$0xD0];
	vm8 =	vmneg vm7;
	v3 =	vsel vm7, $0x1, v0  }
0x30: {  	v4 =	vsel vm8, $0x1, v0;
	[tilespmem:s5+$0xCB0] =	vst v3  }
0x31: {  	v3 =	vld [tilespmem:s5+$0x40];
	[tilespmem:s5+$0xC30] =	vst v4  }
0x32: {  	v1 =	vld.idx.msk [tilespmem:v1+s4+$0x0], $0xffff;
	_ =	sdelay $0x1  }
0x33: {  	v4 =	vtrunc.f32 v7  }
0x34: {  	v4 =	vcvt.f32.s32 v4;
	_ =	sdelay $0x1  }
0x35: {  	vm9 =	vlt.f32 v3, v1  }
0x36: {  	v8 =	vld [tilespmem:s5+$0xE0];
	vm10 =	vmneg vm9;
	v1 =	vsel vm9, $0x1, v0  }
0x37: {  	v3 =	vsel vm10, $0x1, v0;
	[tilespmem:s5+$0xCC0] =	vst v1  }
0x38: {  	[tilespmem:s5+$0xC40] =	vst v3;
	v3 =	vld [tilespmem:s5+$0x50]  }
0x39: {  	v1 =	vld.idx.msk [tilespmem:v4+s4+$0x0], $0xffff;
	_ =	sdelay $0x1  }
0x3a: {  	v4 =	vtrunc.f32 v8  }
0x3b: {  	v4 =	vcvt.f32.s32 v4;
	_ =	sdelay $0x1  }
0x3c: {  	vm11 =	vlt.f32 v3, v1  }
0x3d: {  	v2 =	vld [tilespmem:s5+$0xF0];
	vm12 =	vmneg vm11;
	v1 =	vsel vm11, $0x1, v0  }
0x3e: {  	v3 =	vsel vm12, $0x1, v0;
	[tilespmem:s5+$0xCD0] =	vst v1  }
0x3f: {  	[tilespmem:s5+$0xC50] =	vst v3;
	v3 =	vld [tilespmem:s5+$0x60]  }
0x40: {  	v1 =	vld.idx.msk [tilespmem:v4+s4+$0x0], $0xffff;
	_ =	sdelay $0x1  }
0x41: {  	v2 =	vtrunc.f32 v2  }
0x42: {  	v2 =	vcvt.f32.s32 v2;
	_ =	sdelay $0x1  }
0x43: {  	s7 =	simm.s32 $0x100;
	vm13 =	vlt.f32 v3, v1  }
0x44: {  	v4 =	vld [tilespmem:s7+$0x80];
	v1 =	vsel vm13, $0x1, v0;
	vm0 =	vmneg vm13  }
0x45: {  	v3 =	vld [tilespmem:s5+$0x70];
	[tilespmem:s5+$0xCE0] =	vst v1;
	v1 =	vsel vm0, $0x1, v0  }
0x46: {  	v5 =	vld [tilespmem:s7+$0x90];
	[tilespmem:s5+$0xC60] =	vst v1  }
0x47: {  	v2 =	vld.idx.msk [tilespmem:v2+s4+$0x0], $0xffff  }
0x48: {  	v6 =	vld [tilespmem:s7+$0xA0]  }
0x49: {  	v9 =	vld [tilespmem:s7+$0xB0]  }
0x4a: {  	v4 =	vtrunc.f32 v4;
	v10 =	vld [tilespmem:s7+$0xC0]  }
0x4b: {  	v8 =	vcvt.f32.s32 v4  }
0x4c: {  	v7 =	vtrunc.f32 v5;
	v5 =	vld [tilespmem:s7+$0xE0]  }
0x4d: {  	vm14 =	vlt.f32 v3, v2;
	v3 =	vld [tilespmem:s7+$0xF0]  }
0x4e: {  	v6 =	vtrunc.f32 v6;
	vm15 =	vmneg vm14;
	v11 =	vsel vm14, $0x1, v0  }
0x4f: {  	s6 =	simm.s32 $0x800;
	v1 =	vld [tilespmem:s7+$0xD0];
	v4 =	vtrunc.f32 v9;
	v2 =	vtrunc.f32 v10;
	v9 =	vsel vm15, $0x1, v0;
	[tilespmem:s5+$0xCF0] =	vst v11  }
.LBB2_1:
0x50: {  	p0 =	sne.s32 s6, $0x1C00;
	[tilespmem:s5+$0xC70] =	vst v9;
	s8 =	smov.u32 s6;
	s6 =	sadd.s32 $0x400, s6  }
0x51: {  	s5 =	smov.u32 s7;
	v8 =	vld.idx.msk [tilespmem:v8+s4+$0x0], $0xffff;
	v5 =	vtrunc.f32 v5  }
0x52: {  	v9 =	vld [tilespmem:s5+$0x0];
	v3 =	vtrunc.f32 v3;
	_ =	sdelay $0x2  }
0x53: {  	v7 =	vcvt.f32.s32 v7;
	_ =	sdelay $0x1  }
0x54: {  	vm0 =	vlt.f32 v9, v8  }
0x55: {  	vm1 =	vmneg vm0;
	v8 =	vsel vm0, $0x1, v0  }
0x56: {  	v9 =	vsel vm1, $0x1, v0;
	[tilespmem:s5+$0xC80] =	vst v8  }
0x57: {  	[tilespmem:s5+$0xC00] =	vst v9  }
0x58: {  	v7 =	vld.idx.msk [tilespmem:v7+s4+$0x0], $0xffff  }
0x59: {  	v8 =	vld [tilespmem:s5+$0x10];
	_ =	sdelay $0x2  }
0x5a: {  	v6 =	vcvt.f32.s32 v6;
	_ =	sdelay $0x1  }
0x5b: {  	vm0 =	vlt.f32 v8, v7  }
0x5c: {  	vm1 =	vmneg vm0;
	v7 =	vsel vm0, $0x1, v0  }
0x5d: {  	v8 =	vsel vm1, $0x1, v0;
	[tilespmem:s5+$0xC90] =	vst v7  }
0x5e: {  	[tilespmem:s5+$0xC10] =	vst v8  }
0x5f: {  	v6 =	vld.idx.msk [tilespmem:v6+s4+$0x0], $0xffff  }
0x60: {  	v7 =	vld [tilespmem:s5+$0x20];
	_ =	sdelay $0x2  }
0x61: {  	v4 =	vcvt.f32.s32 v4;
	_ =	sdelay $0x1  }
0x62: {  	vm0 =	vlt.f32 v7, v6  }
0x63: {  	vm1 =	vmneg vm0;
	v6 =	vsel vm0, $0x1, v0  }
0x64: {  	v7 =	vsel vm1, $0x1, v0;
	[tilespmem:s5+$0xCA0] =	vst v6  }
0x65: {  	[tilespmem:s5+$0xC20] =	vst v7  }
0x66: {  	v4 =	vld.idx.msk [tilespmem:v4+s4+$0x0], $0xffff  }
0x67: {  	v6 =	vld [tilespmem:s5+$0x30];
	_ =	sdelay $0x2  }
0x68: {  	v2 =	vcvt.f32.s32 v2;
	_ =	sdelay $0x1  }
0x69: {  	vm0 =	vlt.f32 v6, v4  }
0x6a: {  	vm1 =	vmneg vm0;
	v4 =	vsel vm0, $0x1, v0  }
0x6b: {  	v6 =	vsel vm1, $0x1, v0;
	[tilespmem:s5+$0xCB0] =	vst v4  }
0x6c: {  	[tilespmem:s5+$0xC30] =	vst v6  }
0x6d: {  	v2 =	vld.idx.msk [tilespmem:v2+s4+$0x0], $0xffff  }
0x6e: {  	v4 =	vld [tilespmem:s5+$0x40];
	_ =	sdelay $0x1  }
0x6f: {  	v1 =	vtrunc.f32 v1  }
0x70: {  	v1 =	vcvt.f32.s32 v1;
	_ =	sdelay $0x1  }
0x71: {  	vm0 =	vlt.f32 v4, v2  }
0x72: {  	vm1 =	vmneg vm0;
	v2 =	vsel vm0, $0x1, v0  }
0x73: {  	v4 =	vsel vm1, $0x1, v0;
	[tilespmem:s5+$0xCC0] =	vst v2  }
0x74: {  	[tilespmem:s5+$0xC40] =	vst v4  }
0x75: {  	v1 =	vld.idx.msk [tilespmem:v1+s4+$0x0], $0xffff  }
0x76: {  	v2 =	vld [tilespmem:s5+$0x50];
	_ =	sdelay $0x2  }
0x77: {  	v4 =	vcvt.f32.s32 v5;
	_ =	sdelay $0x1  }
0x78: {  	vm0 =	vlt.f32 v2, v1  }
0x79: {  	vm1 =	vmneg vm0;
	v1 =	vsel vm0, $0x1, v0  }
0x7a: {  	v2 =	vsel vm1, $0x1, v0;
	[tilespmem:s5+$0xCD0] =	vst v1  }
0x7b: {  	[tilespmem:s5+$0xC50] =	vst v2  }
0x7c: {  	v1 =	vld.idx.msk [tilespmem:v4+s4+$0x0], $0xffff  }
0x7d: {  	v2 =	vld [tilespmem:s5+$0x60];
	_ =	sdelay $0x2  }
0x7e: {  	v3 =	vcvt.f32.s32 v3;
	_ =	sdelay $0x1  }
0x7f: {  	vm0 =	vlt.f32 v2, v1  }
0x80: {  	s7 =	sshra.s32 s8, $0x2;
	vm1 =	vmneg vm0;
	v1 =	vsel vm0, $0x1, v0;
	v2 =	vld [tilespmem:s5+$0x70]  }
0x81: {  	v4 =	vld [tilespmem:s7+$0x80];
	v5 =	vsel vm1, $0x1, v0;
	[tilespmem:s5+$0xCE0] =	vst v1  }
0x82: {  	v1 =	vld [tilespmem:s7+$0x90];
	[tilespmem:s5+$0xC60] =	vst v5  }
0x83: {  	v9 =	vld.idx.msk [tilespmem:v3+s4+$0x0], $0xffff  }
0x84: {  	v3 =	vld [tilespmem:s7+$0xA0]  }
0x85: {  	v10 =	vld [tilespmem:s7+$0xB0]  }
0x86: {  	v4 =	vtrunc.f32 v4;
	v11 =	vld [tilespmem:s7+$0xC0]  }
.Ltmp0:
0x87: {  	v8 =	vcvt.f32.s32 v4;
	v7 =	vtrunc.f32 v1;
	v1 =	vld [tilespmem:s7+$0xD0];
	(pc) =	sbr.rel @p0 .LBB2_1-.Ltmp0, $4  }
0x88: {  	v5 =	vld [tilespmem:s7+$0xE0]  }
0x89: {  	vm0 =	vlt.f32 v2, v9;
	v6 =	vtrunc.f32 v3;
	v3 =	vld [tilespmem:s7+$0xF0]  }
0x8a: {  	vm1 =	vmneg vm0;
	v4 =	vtrunc.f32 v10;
	v10 =	vsel vm0, $0x1, v0  }
0x8b: {  	v9 =	vsel vm1, $0x1, v0;
	v2 =	vtrunc.f32 v11;
	[tilespmem:s5+$0xCF0] =	vst v10  }
0x8c: {  	_ =	sdelay $0x2  }
0x8d: {  	[tilespmem:s5+$0xC70] =	vst v9  }
0x8e: {  	v8 =	vld.idx.msk [tilespmem:v8+s4+$0x0], $0xffff  }
0x8f: {  	v9 =	vld [tilespmem:s7+$0x0];
	_ =	sdelay $0x2  }
0x90: {  	v7 =	vcvt.f32.s32 v7;
	_ =	sdelay $0x1  }
0x91: {  	vm0 =	vlt.f32 v9, v8  }
0x92: {  	vm1 =	vmneg vm0;
	v8 =	vsel vm0, $0x1, v0  }
0x93: {  	v48 =	vsel vm1, $0x1, v0;
	[tilespmem:s7+$0xC80] =	vst v8  }
0x94: {  	v49 =	vld [tilespmem:s7+$0x10];
	[tilespmem:s7+$0xC00] =	vst v48  }
0x95: {  	v7 =	vld.idx.msk [tilespmem:v7+s4+$0x0], $0xffff;
	_ =	sdelay $0x2  }
0x96: {  	v6 =	vcvt.f32.s32 v6;
	_ =	sdelay $0x1  }
0x97: {  	vm14 =	vlt.f32 v49, v7  }
0x98: {  	vm15 =	vmneg vm14;
	v7 =	vsel vm14, $0x1, v0  }
0x99: {  	v50 =	vsel vm15, $0x1, v0;
	[tilespmem:s7+$0xC90] =	vst v7  }
0x9a: {  	v51 =	vld [tilespmem:s7+$0x20];
	[tilespmem:s7+$0xC10] =	vst v50  }
0x9b: {  	v6 =	vld.idx.msk [tilespmem:v6+s4+$0x0], $0xffff;
	_ =	sdelay $0x2  }
0x9c: {  	v4 =	vcvt.f32.s32 v4;
	_ =	sdelay $0x1  }
0x9d: {  	vm4 =	vlt.f32 v51, v6  }
0x9e: {  	vm5 =	vmneg vm4;
	v6 =	vsel vm4, $0x1, v0  }
0x9f: {  	v52 =	vsel vm5, $0x1, v0;
	[tilespmem:s7+$0xCA0] =	vst v6  }
0xa0: {  	v53 =	vld [tilespmem:s7+$0x30];
	[tilespmem:s7+$0xC20] =	vst v52  }
0xa1: {  	v4 =	vld.idx.msk [tilespmem:v4+s4+$0x0], $0xffff;
	_ =	sdelay $0x2  }
0xa2: {  	v2 =	vcvt.f32.s32 v2;
	_ =	sdelay $0x1  }
0xa3: {  	vm6 =	vlt.f32 v53, v4  }
0xa4: {  	vm7 =	vmneg vm6;
	v4 =	vsel vm6, $0x1, v0  }
0xa5: {  	v54 =	vsel vm7, $0x1, v0;
	[tilespmem:s7+$0xCB0] =	vst v4  }
0xa6: {  	v55 =	vld [tilespmem:s7+$0x40];
	[tilespmem:s7+$0xC30] =	vst v54  }
0xa7: {  	v2 =	vld.idx.msk [tilespmem:v2+s4+$0x0], $0xffff;
	_ =	sdelay $0x1  }
0xa8: {  	v1 =	vtrunc.f32 v1  }
0xa9: {  	v1 =	vcvt.f32.s32 v1;
	_ =	sdelay $0x1  }
0xaa: {  	vm8 =	vlt.f32 v55, v2  }
0xab: {  	vm9 =	vmneg vm8;
	v2 =	vsel vm8, $0x1, v0  }
0xac: {  	v56 =	vsel vm9, $0x1, v0;
	[tilespmem:s7+$0xCC0] =	vst v2  }
0xad: {  	v57 =	vld [tilespmem:s7+$0x50];
	[tilespmem:s7+$0xC40] =	vst v56  }
0xae: {  	v1 =	vld.idx.msk [tilespmem:v1+s4+$0x0], $0xffff;
	_ =	sdelay $0x1  }
0xaf: {  	v58 =	vtrunc.f32 v5  }
0xb0: {  	v4 =	vcvt.f32.s32 v58;
	_ =	sdelay $0x1  }
0xb1: {  	vm10 =	vlt.f32 v57, v1  }
0xb2: {  	vm11 =	vmneg vm10;
	v1 =	vsel vm10, $0x1, v0  }
0xb3: {  	v59 =	vsel vm11, $0x1, v0;
	[tilespmem:s7+$0xCD0] =	vst v1  }
0xb4: {  	v60 =	vld [tilespmem:s7+$0x60];
	[tilespmem:s7+$0xC50] =	vst v59  }
0xb5: {  	v1 =	vld.idx.msk [tilespmem:v4+s4+$0x0], $0xffff;
	_ =	sdelay $0x1  }
0xb6: {  	v3 =	vtrunc.f32 v3  }
0xb7: {  	v3 =	vcvt.f32.s32 v3;
	_ =	sdelay $0x1  }
0xb8: {  	vm12 =	vlt.f32 v60, v1  }
0xb9: {  	vm13 =	vmneg vm12;
	v1 =	vsel vm12, $0x1, v0  }
0xba: {  	v62 =	vsel vm13, $0x1, v0;
	[tilespmem:s7+$0xCE0] =	vst v1  }
0xbb: {  	v61 =	vld [tilespmem:s7+$0x70];
	[tilespmem:s7+$0xC60] =	vst v62  }
0xbc: {  	v1 =	vld.idx.msk [tilespmem:v3+s4+$0x0], $0xffff;
	_ =	sdelay $0x4  }
0xbd: {  	vm14 =	vlt.f32 v61, v1  }
0xbe: {  	vm15 =	vmneg vm14;
	v1 =	vsel vm14, $0x1, v0  }
0xbf: {  	s2 =	sadd.s32 s2, s3;
	v63 =	vsel vm15, $0x1, v0;
	[tilespmem:s7+$0xCF0] =	vst v1  }
0xc0: {  	s29 =	simm.s32 $0x0;
	s30 =	simm.s32 $0xC00;
	s31 =	simm.s32 $0x3;
	[tilespmem:s7+$0xC70] =	vst v63  }
0xc1: {  	[hbm4b:s2+s29] =	stream.linear.scatter [tilespmem:s30], [sflag:$0x3], $0x800, $0x38;
	[tilespmem:$0x1400] =	vst v63  }
0xc2: {  	_ =	swait.ge [sflag:s31], $0x800  }
0xc3: {  	[sflag:s31] =	ssyncset.done $0x0  }
0xc4: {  	[sflag:s31] =	ssyncadd.s32 $0xFFFFF800  }
0xc5: {  	_ =	sfence.sel $0x180000  }
0xc6: {  	[bflag:$0x0] =	sbarrier.arrive $0xFFFF  }
0xc7: {  	p0 =	sne.s32 s1, $0x0;
	_ =	strace $0x90000047  }
0xc8: {  	s0 =	sadd.s32 @!p0 $0x100000, s0;
	[bflag:$0x2] =	sbarrier.arrive $0xFFFF  }
0xc9: {  	[sflag:s0] =	ssyncadd.tile.s32 @!p0 $0x1;
	_ =	shalt  }
.Lfunc_end2:
_tile_overlayer_lowered:
.L_overlay_start_2:
0xca: {  	(tag) =	ssettag $0x2  }
0xcb: {  	s0 =	rddreg [dreg:$0x0];
	s2 =	stileid.u32  }
0xcc: {  	s1 =	rddreg [dreg:$0x1];
	p0 =	sne.s32 s2, $0x0  }
0xcd: {  	s3 =	rddreg [dreg:$0x2];
	[bflag:$0x3] =	sbarrier.arrive $0xFFFF;
	s2 =	simm.s32 @!p0 $0x1C03  }
0xce: {  	[timem:s3], [sflag:s2] =	dma.local @!p0 [hbm:s0], s1  }
0xcf: {  	s0 =	simm.s32 @!p0 $0x3  }
0xd0: {  	_ =	swait.ge @!p0 [sflag:s0], s1  }
0xd1: {  	s1 =	ssub.s32 @!p0 $0x0, s1;
	[sflag:s0] =	ssyncset.done @!p0 $0x0  }
0xd2: {  	[sflag:s0] =	ssyncadd.s32 @!p0 s1  }
0xd3: {  	[bflag:$0x3] =	sbarrier.arrive $0xFFFF  }
0xd4: {  	_ =	shalt  }

</sc_bundles>
